<compile_context>
chip_gen: v7x
topology: tpu7x:2x2x1
jax: 0.10.2.dev20260603
libtpu: 0.0.44.dev20260713+nightly
codegen_flags: <defaults>
</compile_context>

<pallas_src>
import functools

import jax
import jax.numpy as jnp
from jax import lax
from jax.experimental import pallas as pl
from jax.experimental.pallas import tpu as pltpu
from jax.experimental.pallas import tpu_sc as plsc

NUM_TYPES = 128
D_MODEL = 128
PADDING_IDX = 0

NC, NS = 2, 16
NW = NC * NS
G = 128
K = 8
C = G * K
HALF = C // 2


def _sc_body(idx_hbm, table_hbm, out_hbm, idx_v, rows_v, sem, *, steps, per_w):
    wid = lax.axis_index("c") * NS + lax.axis_index("s")

    def step(t, _):
        base = pl.multiple_of(wid * per_w + t * C, C)
        pltpu.sync_copy(idx_hbm.at[pl.ds(pl.multiple_of(base // G, K), K)], idx_v)
        for half in range(2):
            copies = [
                pltpu.async_copy(
                    table_hbm.at[idx_v.at[half * (K // 2) + j]],
                    rows_v.at[pl.ds(j * G, G)],
                    sem,
                )
                for j in range(K // 2)
            ]
            for cp in copies:
                cp.wait()
            pltpu.sync_copy(rows_v, out_hbm.at[pl.ds(base + half * HALF, HALF)])
        return ()

    lax.fori_loop(0, steps, step, (), unroll=False)


def kernel(Z, table):
    B = Z.size
    assert B % (NW * C) == 0, B
    assert table.shape == (NUM_TYPES, D_MODEL)
    per_w = B // NW
    steps = per_w // C

    idx = Z.reshape(B // G, G).astype(jnp.int32)
    table_eff = table.at[PADDING_IDX].set(0.0)

    mesh = plsc.VectorSubcoreMesh(core_axis_name="c", subcore_axis_name="s")
    run = pl.kernel(
        functools.partial(_sc_body, steps=steps, per_w=per_w),
        out_type=jax.ShapeDtypeStruct((B, D_MODEL), jnp.float32),
        mesh=mesh,
        scratch_types=[
            pltpu.VMEM((K, G), jnp.int32),
            pltpu.VMEM((HALF, D_MODEL), jnp.float32),
            pltpu.SemaphoreType.DMA,
        ],
    )
    out = run(idx, table_eff)
    return out.reshape(*Z.shape, D_MODEL)

# --- scband reference (transcript-rebuilt; emitter-appended) ---
"""Pipeline reference for scband-atom-type-embedding-15917148799189 (READ-ONLY COPY).

The authoritative reference and input builder live on the scoring server;
editing this copy changes nothing except your own understanding.
"""

import jax, jax.numpy as jnp
import numpy as np

NUM_TYPES = 128
D_MODEL = 128
PADDING_IDX = 0

def setup_inputs(seed: int = 0) -> dict:
    key = jax.random.key(seed)
    k1, k2 = jax.random.split(key)
    Z = jax.random.randint(k1, (4096, 256), 0, NUM_TYPES)
    table = jax.random.normal(k2, (NUM_TYPES, D_MODEL), dtype=jnp.float32) * 0.02
    table = table.at[PADDING_IDX].set(0.0)
    return {"Z": Z, "table": table}

def reference(Z, table):
    # nn.Embedding with padding_idx: row at padding_idx is held at zero
    table_eff = table.at[PADDING_IDX].set(0.0)
    h = jnp.take(table_eff, Z, axis=0)
    return h

if __name__ == "__main__":
    import jax
    _d = setup_inputs()
    print(jax.jit(kernel)(*tuple(_d.values())))

</pallas_src>

<mosaic_0001>
#map = affine_map<(d0, d1) -> (0, 0)>
module attributes {stable_mosaic.version = 14 : i64} {
  func.func @_sc_body(%arg0: i32, %arg1: i32, %arg2: memref<8192x128xi32, #tpu.memory_space<hbm>>, %arg3: memref<128x128xf32, #tpu.memory_space<hbm>>, %arg4: memref<1048576x128xf32, #tpu.memory_space<hbm>>, %arg5: memref<8x128xi32, #tpu.memory_space<vmem>>, %arg6: memref<512x128xf32, #tpu.memory_space<vmem>>, %arg7: memref<!tpu.dma_semaphore, #tpu.memory_space<semaphore_mem>>) attributes {dimension_semantics = [#tpu.dimension_semantics<core_parallel>, #tpu.dimension_semantics<subcore_parallel>], iteration_bounds = array<i64: 2, 16>, scalar_prefetch = 0 : i64, scratch_operands = 3 : i64, tpu.core_type = #tpu.core_type<sc_vector_subcore>, window_params = [{transform_indices = #map}, {transform_indices = #map}, {transform_indices = #map}]} {
    %mul3A = arith.constant 16 : i32
    %mul3A_0 = arith.muli %arg0, %mul3A : i32
    %add3A = arith.addi %mul3A_0, %arg1 : i32
    %scan3A = arith.constant 0 : i32
    %scan3A_1 = arith.constant 32 : i32
    %scan3A_2 = arith.addi %scan3A, %scan3A_1 : i32
    %scan3A_3 = arith.constant 1 : i32
    scf.for %scan3A_5 = %scan3A to %scan3A_2 step %scan3A_3  : i32 {
      %mul3A_6 = arith.constant 32768 : i32
      %mul3A_7 = arith.muli %add3A, %mul3A_6 : i32
      %mul3A_8 = arith.constant 1024 : i32
      %mul3A_9 = arith.muli %scan3A_5, %mul3A_8 : i32
      %add3A_10 = arith.addi %mul3A_7, %mul3A_9 : i32
      %multiple_of3A = tpu.assume_multiple %add3A_10, 1024 : i32
      %jit3A = arith.constant 128 : i32
      %div3A = arith.divsi %multiple_of3A, %jit3A : i32
      %sign3A = arith.constant 0 : i32
      %sign3A_11 = arith.cmpi sgt, %multiple_of3A, %sign3A : i32
      %sign3A_12 = arith.extui %sign3A_11 : i1 to i32
      %sign3A_13 = arith.constant 0 : i32
      %sign3A_14 = arith.cmpi slt, %multiple_of3A, %sign3A_13 : i32
      %sign3A_15 = arith.extui %sign3A_14 : i1 to i32
      %sign3A_16 = arith.subi %sign3A_12, %sign3A_15 : i32
      %sign3A_17 = arith.constant 0 : i32
      %sign3A_18 = arith.cmpi sgt, %jit3A, %sign3A_17 : i32
      %sign3A_19 = arith.extui %sign3A_18 : i1 to i32
      %sign3A_20 = arith.constant 0 : i32
      %sign3A_21 = arith.cmpi slt, %jit3A, %sign3A_20 : i32
      %sign3A_22 = arith.extui %sign3A_21 : i1 to i32
      %sign3A_23 = arith.subi %sign3A_19, %sign3A_22 : i32
      %ne3A = arith.cmpi ne, %sign3A_16, %sign3A_23 : i32
      %rem3A = arith.remsi %multiple_of3A, %jit3A : i32
      %ne3A_24 = arith.constant 0 : i32
      %ne3A_25 = arith.cmpi ne, %rem3A, %ne3A_24 : i32
      %and3A = arith.andi %ne3A, %ne3A_25 : i1
      %sub3A = arith.constant 1 : i32
      %sub3A_26 = arith.subi %div3A, %sub3A : i32
      %select_n3A = arith.select %and3A, %sub3A_26, %div3A : i32
      %multiple_of3A_27 = tpu.assume_multiple %select_n3A, 8 : i32
      "tpu.region"() ({
        %run_scoped3A = tpu.sem_alloc : memref<!tpu.dma_semaphore, #tpu.memory_space<semaphore_mem>>
        %dma_start3A_190 = arith.constant 0 : i32
        %dma_start3A_191 = tpu.memref_slice %arg2[%multiple_of3A_27, %dma_start3A_190] : memref<8192x128xi32, #tpu.memory_space<hbm>> -> memref<8x128xi32, #tpu.memory_space<hbm>>
        %dma_start3A_192 = arith.constant 0 : i32
        %dma_start3A_193 = tpu.memref_slice %arg2[%multiple_of3A_27, %dma_start3A_192] : memref<8192x128xi32, #tpu.memory_space<hbm>> -> memref<8x128xi32, #tpu.memory_space<hbm>>
        tpu.enqueue_dma source(%dma_start3A_193 : memref<8x128xi32, #tpu.memory_space<hbm>>) target(%arg5 : memref<8x128xi32, #tpu.memory_space<vmem>>) target_semaphore(%run_scoped3A : memref<!tpu.dma_semaphore, #tpu.memory_space<semaphore_mem>>)
        %dma_wait3A_194 = arith.constant 0 : i32
        %dma_wait3A_195 = tpu.memref_slice %arg2[%multiple_of3A_27, %dma_wait3A_194] : memref<8192x128xi32, #tpu.memory_space<hbm>> -> memref<8x128xi32, #tpu.memory_space<hbm>>
        %dma_wait3A_196 = arith.constant 0 : i32
        %dma_wait3A_197 = tpu.memref_slice %arg2[%multiple_of3A_27, %dma_wait3A_196] : memref<8192x128xi32, #tpu.memory_space<hbm>> -> memref<8x128xi32, #tpu.memory_space<hbm>>
        tpu.wait_dma2 semaphore(%run_scoped3A : memref<!tpu.dma_semaphore, #tpu.memory_space<semaphore_mem>>) src(%dma_wait3A_197 : memref<8x128xi32, #tpu.memory_space<hbm>>) dst(%arg5 : memref<8x128xi32, #tpu.memory_space<vmem>>)
        tpu.yield
      }) : () -> ()
      %dma_start3A = arith.constant 0 : i32
      %dma_start3A_28 = arith.constant 0 : i32
      %dma_start3A_29 = arith.constant 0 : i32
      %dma_start3A_30 = tpu.memref_slice %arg6[%dma_start3A_28, %dma_start3A_29] : memref<512x128xf32, #tpu.memory_space<vmem>> -> memref<128x128xf32, #tpu.memory_space<vmem>>
      %dma_start3A_31 = arith.constant 0 : i32
      %dma_start3A_32 = tpu.memref_slice %arg5[%dma_start3A, %dma_start3A_31] : memref<8x128xi32, #tpu.memory_space<vmem>> -> memref<1x128xi32, #tpu.memory_space<vmem>>
      %dma_start3A_33 = tpu.memref_squeeze %dma_start3A_32 : memref<1x128xi32, #tpu.memory_space<vmem>> -> memref<128xi32, #tpu.memory_space<vmem>>
      %dma_start3A_34 = arith.constant 0 : i32
      %dma_start3A_35 = arith.constant 0 : i32
      %dma_start3A_36 = tpu.memref_slice %arg3[%dma_start3A_34, %dma_start3A_35] : memref<128x128xf32, #tpu.memory_space<hbm>> -> memref<128x128xf32, #tpu.memory_space<hbm>>
      tpu.enqueue_indirect_dma source(%dma_start3A_36 : memref<128x128xf32, #tpu.memory_space<hbm>>) target(%dma_start3A_30 : memref<128x128xf32, #tpu.memory_space<vmem>>) offsets(%dma_start3A_33 : memref<128xi32, #tpu.memory_space<vmem>>) semaphore(%arg7 : memref<!tpu.dma_semaphore, #tpu.memory_space<semaphore_mem>>)
      %dma_start3A_37 = arith.constant 1 : i32
      %dma_start3A_38 = arith.constant 128 : i32
      %dma_start3A_39 = arith.constant 0 : i32
      %dma_start3A_40 = tpu.memref_slice %arg6[%dma_start3A_38, %dma_start3A_39] : memref<512x128xf32, #tpu.memory_space<vmem>> -> memref<128x128xf32, #tpu.memory_space<vmem>>
      %dma_start3A_41 = arith.constant 0 : i32
      %dma_start3A_42 = tpu.memref_slice %arg5[%dma_start3A_37, %dma_start3A_41] : memref<8x128xi32, #tpu.memory_space<vmem>> -> memref<1x128xi32, #tpu.memory_space<vmem>>
      %dma_start3A_43 = tpu.memref_squeeze %dma_start3A_42 : memref<1x128xi32, #tpu.memory_space<vmem>> -> memref<128xi32, #tpu.memory_space<vmem>>
      %dma_start3A_44 = arith.constant 0 : i32
      %dma_start3A_45 = arith.constant 0 : i32
      %dma_start3A_46 = tpu.memref_slice %arg3[%dma_start3A_44, %dma_start3A_45] : memref<128x128xf32, #tpu.memory_space<hbm>> -> memref<128x128xf32, #tpu.memory_space<hbm>>
      tpu.enqueue_indirect_dma source(%dma_start3A_46 : memref<128x128xf32, #tpu.memory_space<hbm>>) target(%dma_start3A_40 : memref<128x128xf32, #tpu.memory_space<vmem>>) offsets(%dma_start3A_43 : memref<128xi32, #tpu.memory_space<vmem>>) semaphore(%arg7 : memref<!tpu.dma_semaphore, #tpu.memory_space<semaphore_mem>>)
      %dma_start3A_47 = arith.constant 2 : i32
      %dma_start3A_48 = arith.constant 256 : i32
      %dma_start3A_49 = arith.constant 0 : i32
      %dma_start3A_50 = tpu.memref_slice %arg6[%dma_start3A_48, %dma_start3A_49] : memref<512x128xf32, #tpu.memory_space<vmem>> -> memref<128x128xf32, #tpu.memory_space<vmem>>
      %dma_start3A_51 = arith.constant 0 : i32
      %dma_start3A_52 = tpu.memref_slice %arg5[%dma_start3A_47, %dma_start3A_51] : memref<8x128xi32, #tpu.memory_space<vmem>> -> memref<1x128xi32, #tpu.memory_space<vmem>>
      %dma_start3A_53 = tpu.memref_squeeze %dma_start3A_52 : memref<1x128xi32, #tpu.memory_space<vmem>> -> memref<128xi32, #tpu.memory_space<vmem>>
      %dma_start3A_54 = arith.constant 0 : i32
      %dma_start3A_55 = arith.constant 0 : i32
      %dma_start3A_56 = tpu.memref_slice %arg3[%dma_start3A_54, %dma_start3A_55] : memref<128x128xf32, #tpu.memory_space<hbm>> -> memref<128x128xf32, #tpu.memory_space<hbm>>
      tpu.enqueue_indirect_dma source(%dma_start3A_56 : memref<128x128xf32, #tpu.memory_space<hbm>>) target(%dma_start3A_50 : memref<128x128xf32, #tpu.memory_space<vmem>>) offsets(%dma_start3A_53 : memref<128xi32, #tpu.memory_space<vmem>>) semaphore(%arg7 : memref<!tpu.dma_semaphore, #tpu.memory_space<semaphore_mem>>)
      %dma_start3A_57 = arith.constant 3 : i32
      %dma_start3A_58 = arith.constant 384 : i32
      %dma_start3A_59 = arith.constant 0 : i32
      %dma_start3A_60 = tpu.memref_slice %arg6[%dma_start3A_58, %dma_start3A_59] : memref<512x128xf32, #tpu.memory_space<vmem>> -> memref<128x128xf32, #tpu.memory_space<vmem>>
      %dma_start3A_61 = arith.constant 0 : i32
      %dma_start3A_62 = tpu.memref_slice %arg5[%dma_start3A_57, %dma_start3A_61] : memref<8x128xi32, #tpu.memory_space<vmem>> -> memref<1x128xi32, #tpu.memory_space<vmem>>
      %dma_start3A_63 = tpu.memref_squeeze %dma_start3A_62 : memref<1x128xi32, #tpu.memory_space<vmem>> -> memref<128xi32, #tpu.memory_space<vmem>>
      %dma_start3A_64 = arith.constant 0 : i32
      %dma_start3A_65 = arith.constant 0 : i32
      %dma_start3A_66 = tpu.memref_slice %arg3[%dma_start3A_64, %dma_start3A_65] : memref<128x128xf32, #tpu.memory_space<hbm>> -> memref<128x128xf32, #tpu.memory_space<hbm>>
      tpu.enqueue_indirect_dma source(%dma_start3A_66 : memref<128x128xf32, #tpu.memory_space<hbm>>) target(%dma_start3A_60 : memref<128x128xf32, #tpu.memory_space<vmem>>) offsets(%dma_start3A_63 : memref<128xi32, #tpu.memory_space<vmem>>) semaphore(%arg7 : memref<!tpu.dma_semaphore, #tpu.memory_space<semaphore_mem>>)
      %dma_wait3A = arith.constant 0 : i32
      %dma_wait3A_67 = arith.constant 0 : i32
      %dma_wait3A_68 = arith.constant 0 : i32
      %dma_wait3A_69 = tpu.memref_slice %arg6[%dma_wait3A_67, %dma_wait3A_68] : memref<512x128xf32, #tpu.memory_space<vmem>> -> memref<128x128xf32, #tpu.memory_space<vmem>>
      %dma_wait3A_70 = arith.constant 0 : i32
      %dma_wait3A_71 = tpu.memref_slice %arg5[%dma_wait3A, %dma_wait3A_70] : memref<8x128xi32, #tpu.memory_space<vmem>> -> memref<1x128xi32, #tpu.memory_space<vmem>>
      %dma_wait3A_72 = tpu.memref_squeeze %dma_wait3A_71 : memref<1x128xi32, #tpu.memory_space<vmem>> -> memref<128xi32, #tpu.memory_space<vmem>>
      %dma_wait3A_73 = arith.constant 0 : i32
      %dma_wait3A_74 = arith.constant 0 : i32
      %dma_wait3A_75 = tpu.memref_slice %arg3[%dma_wait3A_73, %dma_wait3A_74] : memref<128x128xf32, #tpu.memory_space<hbm>> -> memref<128x128xf32, #tpu.memory_space<hbm>>
      tpu.wait_indirect_dma semaphore(%arg7 : memref<!tpu.dma_semaphore, #tpu.memory_space<semaphore_mem>>) src(%dma_wait3A_75 : memref<128x128xf32, #tpu.memory_space<hbm>>) dst(%dma_wait3A_69 : memref<128x128xf32, #tpu.memory_space<vmem>>)
      %dma_wait3A_76 = arith.constant 1 : i32
      %dma_wait3A_77 = arith.constant 128 : i32
      %dma_wait3A_78 = arith.constant 0 : i32
      %dma_wait3A_79 = tpu.memref_slice %arg6[%dma_wait3A_77, %dma_wait3A_78] : memref<512x128xf32, #tpu.memory_space<vmem>> -> memref<128x128xf32, #tpu.memory_space<vmem>>
      %dma_wait3A_80 = arith.constant 0 : i32
      %dma_wait3A_81 = tpu.memref_slice %arg5[%dma_wait3A_76, %dma_wait3A_80] : memref<8x128xi32, #tpu.memory_space<vmem>> -> memref<1x128xi32, #tpu.memory_space<vmem>>
      %dma_wait3A_82 = tpu.memref_squeeze %dma_wait3A_81 : memref<1x128xi32, #tpu.memory_space<vmem>> -> memref<128xi32, #tpu.memory_space<vmem>>
      %dma_wait3A_83 = arith.constant 0 : i32
      %dma_wait3A_84 = arith.constant 0 : i32
      %dma_wait3A_85 = tpu.memref_slice %arg3[%dma_wait3A_83, %dma_wait3A_84] : memref<128x128xf32, #tpu.memory_space<hbm>> -> memref<128x128xf32, #tpu.memory_space<hbm>>
      tpu.wait_indirect_dma semaphore(%arg7 : memref<!tpu.dma_semaphore, #tpu.memory_space<semaphore_mem>>) src(%dma_wait3A_85 : memref<128x128xf32, #tpu.memory_space<hbm>>) dst(%dma_wait3A_79 : memref<128x128xf32, #tpu.memory_space<vmem>>)
      %dma_wait3A_86 = arith.constant 2 : i32
      %dma_wait3A_87 = arith.constant 256 : i32
      %dma_wait3A_88 = arith.constant 0 : i32
      %dma_wait3A_89 = tpu.memref_slice %arg6[%dma_wait3A_87, %dma_wait3A_88] : memref<512x128xf32, #tpu.memory_space<vmem>> -> memref<128x128xf32, #tpu.memory_space<vmem>>
      %dma_wait3A_90 = arith.constant 0 : i32
      %dma_wait3A_91 = tpu.memref_slice %arg5[%dma_wait3A_86, %dma_wait3A_90] : memref<8x128xi32, #tpu.memory_space<vmem>> -> memref<1x128xi32, #tpu.memory_space<vmem>>
      %dma_wait3A_92 = tpu.memref_squeeze %dma_wait3A_91 : memref<1x128xi32, #tpu.memory_space<vmem>> -> memref<128xi32, #tpu.memory_space<vmem>>
      %dma_wait3A_93 = arith.constant 0 : i32
      %dma_wait3A_94 = arith.constant 0 : i32
      %dma_wait3A_95 = tpu.memref_slice %arg3[%dma_wait3A_93, %dma_wait3A_94] : memref<128x128xf32, #tpu.memory_space<hbm>> -> memref<128x128xf32, #tpu.memory_space<hbm>>
      tpu.wait_indirect_dma semaphore(%arg7 : memref<!tpu.dma_semaphore, #tpu.memory_space<semaphore_mem>>) src(%dma_wait3A_95 : memref<128x128xf32, #tpu.memory_space<hbm>>) dst(%dma_wait3A_89 : memref<128x128xf32, #tpu.memory_space<vmem>>)
      %dma_wait3A_96 = arith.constant 3 : i32
      %dma_wait3A_97 = arith.constant 384 : i32
      %dma_wait3A_98 = arith.constant 0 : i32
      %dma_wait3A_99 = tpu.memref_slice %arg6[%dma_wait3A_97, %dma_wait3A_98] : memref<512x128xf32, #tpu.memory_space<vmem>> -> memref<128x128xf32, #tpu.memory_space<vmem>>
      %dma_wait3A_100 = arith.constant 0 : i32
      %dma_wait3A_101 = tpu.memref_slice %arg5[%dma_wait3A_96, %dma_wait3A_100] : memref<8x128xi32, #tpu.memory_space<vmem>> -> memref<1x128xi32, #tpu.memory_space<vmem>>
      %dma_wait3A_102 = tpu.memref_squeeze %dma_wait3A_101 : memref<1x128xi32, #tpu.memory_space<vmem>> -> memref<128xi32, #tpu.memory_space<vmem>>
      %dma_wait3A_103 = arith.constant 0 : i32
      %dma_wait3A_104 = arith.constant 0 : i32
      %dma_wait3A_105 = tpu.memref_slice %arg3[%dma_wait3A_103, %dma_wait3A_104] : memref<128x128xf32, #tpu.memory_space<hbm>> -> memref<128x128xf32, #tpu.memory_space<hbm>>
      tpu.wait_indirect_dma semaphore(%arg7 : memref<!tpu.dma_semaphore, #tpu.memory_space<semaphore_mem>>) src(%dma_wait3A_105 : memref<128x128xf32, #tpu.memory_space<hbm>>) dst(%dma_wait3A_99 : memref<128x128xf32, #tpu.memory_space<vmem>>)
      %add3A_106 = arith.constant 0 : i32
      %add3A_107 = arith.addi %multiple_of3A, %add3A_106 : i32
      "tpu.region"() ({
        %run_scoped3A = tpu.sem_alloc : memref<!tpu.dma_semaphore, #tpu.memory_space<semaphore_mem>>
        %dma_start3A_190 = arith.constant 0 : i32
        %dma_start3A_191 = tpu.memref_slice %arg4[%add3A_107, %dma_start3A_190] : memref<1048576x128xf32, #tpu.memory_space<hbm>> -> memref<512x128xf32, #tpu.memory_space<hbm>>
        %dma_start3A_192 = arith.constant 0 : i32
        %dma_start3A_193 = tpu.memref_slice %arg4[%add3A_107, %dma_start3A_192] : memref<1048576x128xf32, #tpu.memory_space<hbm>> -> memref<512x128xf32, #tpu.memory_space<hbm>>
        tpu.enqueue_dma source(%arg6 : memref<512x128xf32, #tpu.memory_space<vmem>>) target(%dma_start3A_193 : memref<512x128xf32, #tpu.memory_space<hbm>>) target_semaphore(%run_scoped3A : memref<!tpu.dma_semaphore, #tpu.memory_space<semaphore_mem>>)
        %dma_wait3A_194 = arith.constant 0 : i32
        %dma_wait3A_195 = tpu.memref_slice %arg4[%add3A_107, %dma_wait3A_194] : memref<1048576x128xf32, #tpu.memory_space<hbm>> -> memref<512x128xf32, #tpu.memory_space<hbm>>
        %dma_wait3A_196 = arith.constant 0 : i32
        %dma_wait3A_197 = tpu.memref_slice %arg4[%add3A_107, %dma_wait3A_196] : memref<1048576x128xf32, #tpu.memory_space<hbm>> -> memref<512x128xf32, #tpu.memory_space<hbm>>
        tpu.wait_dma2 semaphore(%run_scoped3A : memref<!tpu.dma_semaphore, #tpu.memory_space<semaphore_mem>>) src(%arg6 : memref<512x128xf32, #tpu.memory_space<vmem>>) dst(%dma_wait3A_197 : memref<512x128xf32, #tpu.memory_space<hbm>>)
        tpu.yield
      }) : () -> ()
      %dma_start3A_108 = arith.constant 4 : i32
      %dma_start3A_109 = arith.constant 0 : i32
      %dma_start3A_110 = arith.constant 0 : i32
      %dma_start3A_111 = tpu.memref_slice %arg6[%dma_start3A_109, %dma_start3A_110] : memref<512x128xf32, #tpu.memory_space<vmem>> -> memref<128x128xf32, #tpu.memory_space<vmem>>
      %dma_start3A_112 = arith.constant 0 : i32
      %dma_start3A_113 = tpu.memref_slice %arg5[%dma_start3A_108, %dma_start3A_112] : memref<8x128xi32, #tpu.memory_space<vmem>> -> memref<1x128xi32, #tpu.memory_space<vmem>>
      %dma_start3A_114 = tpu.memref_squeeze %dma_start3A_113 : memref<1x128xi32, #tpu.memory_space<vmem>> -> memref<128xi32, #tpu.memory_space<vmem>>
      %dma_start3A_115 = arith.constant 0 : i32
      %dma_start3A_116 = arith.constant 0 : i32
      %dma_start3A_117 = tpu.memref_slice %arg3[%dma_start3A_115, %dma_start3A_116] : memref<128x128xf32, #tpu.memory_space<hbm>> -> memref<128x128xf32, #tpu.memory_space<hbm>>
      tpu.enqueue_indirect_dma source(%dma_start3A_117 : memref<128x128xf32, #tpu.memory_space<hbm>>) target(%dma_start3A_111 : memref<128x128xf32, #tpu.memory_space<vmem>>) offsets(%dma_start3A_114 : memref<128xi32, #tpu.memory_space<vmem>>) semaphore(%arg7 : memref<!tpu.dma_semaphore, #tpu.memory_space<semaphore_mem>>)
      %dma_start3A_118 = arith.constant 5 : i32
      %dma_start3A_119 = arith.constant 128 : i32
      %dma_start3A_120 = arith.constant 0 : i32
      %dma_start3A_121 = tpu.memref_slice %arg6[%dma_start3A_119, %dma_start3A_120] : memref<512x128xf32, #tpu.memory_space<vmem>> -> memref<128x128xf32, #tpu.memory_space<vmem>>
      %dma_start3A_122 = arith.constant 0 : i32
      %dma_start3A_123 = tpu.memref_slice %arg5[%dma_start3A_118, %dma_start3A_122] : memref<8x128xi32, #tpu.memory_space<vmem>> -> memref<1x128xi32, #tpu.memory_space<vmem>>
      %dma_start3A_124 = tpu.memref_squeeze %dma_start3A_123 : memref<1x128xi32, #tpu.memory_space<vmem>> -> memref<128xi32, #tpu.memory_space<vmem>>
      %dma_start3A_125 = arith.constant 0 : i32
      %dma_start3A_126 = arith.constant 0 : i32
      %dma_start3A_127 = tpu.memref_slice %arg3[%dma_start3A_125, %dma_start3A_126] : memref<128x128xf32, #tpu.memory_space<hbm>> -> memref<128x128xf32, #tpu.memory_space<hbm>>
      tpu.enqueue_indirect_dma source(%dma_start3A_127 : memref<128x128xf32, #tpu.memory_space<hbm>>) target(%dma_start3A_121 : memref<128x128xf32, #tpu.memory_space<vmem>>) offsets(%dma_start3A_124 : memref<128xi32, #tpu.memory_space<vmem>>) semaphore(%arg7 : memref<!tpu.dma_semaphore, #tpu.memory_space<semaphore_mem>>)
      %dma_start3A_128 = arith.constant 6 : i32
      %dma_start3A_129 = arith.constant 256 : i32
      %dma_start3A_130 = arith.constant 0 : i32
      %dma_start3A_131 = tpu.memref_slice %arg6[%dma_start3A_129, %dma_start3A_130] : memref<512x128xf32, #tpu.memory_space<vmem>> -> memref<128x128xf32, #tpu.memory_space<vmem>>
      %dma_start3A_132 = arith.constant 0 : i32
      %dma_start3A_133 = tpu.memref_slice %arg5[%dma_start3A_128, %dma_start3A_132] : memref<8x128xi32, #tpu.memory_space<vmem>> -> memref<1x128xi32, #tpu.memory_space<vmem>>
      %dma_start3A_134 = tpu.memref_squeeze %dma_start3A_133 : memref<1x128xi32, #tpu.memory_space<vmem>> -> memref<128xi32, #tpu.memory_space<vmem>>
      %dma_start3A_135 = arith.constant 0 : i32
      %dma_start3A_136 = arith.constant 0 : i32
      %dma_start3A_137 = tpu.memref_slice %arg3[%dma_start3A_135, %dma_start3A_136] : memref<128x128xf32, #tpu.memory_space<hbm>> -> memref<128x128xf32, #tpu.memory_space<hbm>>
      tpu.enqueue_indirect_dma source(%dma_start3A_137 : memref<128x128xf32, #tpu.memory_space<hbm>>) target(%dma_start3A_131 : memref<128x128xf32, #tpu.memory_space<vmem>>) offsets(%dma_start3A_134 : memref<128xi32, #tpu.memory_space<vmem>>) semaphore(%arg7 : memref<!tpu.dma_semaphore, #tpu.memory_space<semaphore_mem>>)
      %dma_start3A_138 = arith.constant 7 : i32
      %dma_start3A_139 = arith.constant 384 : i32
      %dma_start3A_140 = arith.constant 0 : i32
      %dma_start3A_141 = tpu.memref_slice %arg6[%dma_start3A_139, %dma_start3A_140] : memref<512x128xf32, #tpu.memory_space<vmem>> -> memref<128x128xf32, #tpu.memory_space<vmem>>
      %dma_start3A_142 = arith.constant 0 : i32
      %dma_start3A_143 = tpu.memref_slice %arg5[%dma_start3A_138, %dma_start3A_142] : memref<8x128xi32, #tpu.memory_space<vmem>> -> memref<1x128xi32, #tpu.memory_space<vmem>>
      %dma_start3A_144 = tpu.memref_squeeze %dma_start3A_143 : memref<1x128xi32, #tpu.memory_space<vmem>> -> memref<128xi32, #tpu.memory_space<vmem>>
      %dma_start3A_145 = arith.constant 0 : i32
      %dma_start3A_146 = arith.constant 0 : i32
      %dma_start3A_147 = tpu.memref_slice %arg3[%dma_start3A_145, %dma_start3A_146] : memref<128x128xf32, #tpu.memory_space<hbm>> -> memref<128x128xf32, #tpu.memory_space<hbm>>
      tpu.enqueue_indirect_dma source(%dma_start3A_147 : memref<128x128xf32, #tpu.memory_space<hbm>>) target(%dma_start3A_141 : memref<128x128xf32, #tpu.memory_space<vmem>>) offsets(%dma_start3A_144 : memref<128xi32, #tpu.memory_space<vmem>>) semaphore(%arg7 : memref<!tpu.dma_semaphore, #tpu.memory_space<semaphore_mem>>)
      %dma_wait3A_148 = arith.constant 4 : i32
      %dma_wait3A_149 = arith.constant 0 : i32
      %dma_wait3A_150 = arith.constant 0 : i32
      %dma_wait3A_151 = tpu.memref_slice %arg6[%dma_wait3A_149, %dma_wait3A_150] : memref<512x128xf32, #tpu.memory_space<vmem>> -> memref<128x128xf32, #tpu.memory_space<vmem>>
      %dma_wait3A_152 = arith.constant 0 : i32
      %dma_wait3A_153 = tpu.memref_slice %arg5[%dma_wait3A_148, %dma_wait3A_152] : memref<8x128xi32, #tpu.memory_space<vmem>> -> memref<1x128xi32, #tpu.memory_space<vmem>>
      %dma_wait3A_154 = tpu.memref_squeeze %dma_wait3A_153 : memref<1x128xi32, #tpu.memory_space<vmem>> -> memref<128xi32, #tpu.memory_space<vmem>>
      %dma_wait3A_155 = arith.constant 0 : i32
      %dma_wait3A_156 = arith.constant 0 : i32
      %dma_wait3A_157 = tpu.memref_slice %arg3[%dma_wait3A_155, %dma_wait3A_156] : memref<128x128xf32, #tpu.memory_space<hbm>> -> memref<128x128xf32, #tpu.memory_space<hbm>>
      tpu.wait_indirect_dma semaphore(%arg7 : memref<!tpu.dma_semaphore, #tpu.memory_space<semaphore_mem>>) src(%dma_wait3A_157 : memref<128x128xf32, #tpu.memory_space<hbm>>) dst(%dma_wait3A_151 : memref<128x128xf32, #tpu.memory_space<vmem>>)
      %dma_wait3A_158 = arith.constant 5 : i32
      %dma_wait3A_159 = arith.constant 128 : i32
      %dma_wait3A_160 = arith.constant 0 : i32
      %dma_wait3A_161 = tpu.memref_slice %arg6[%dma_wait3A_159, %dma_wait3A_160] : memref<512x128xf32, #tpu.memory_space<vmem>> -> memref<128x128xf32, #tpu.memory_space<vmem>>
      %dma_wait3A_162 = arith.constant 0 : i32
      %dma_wait3A_163 = tpu.memref_slice %arg5[%dma_wait3A_158, %dma_wait3A_162] : memref<8x128xi32, #tpu.memory_space<vmem>> -> memref<1x128xi32, #tpu.memory_space<vmem>>
      %dma_wait3A_164 = tpu.memref_squeeze %dma_wait3A_163 : memref<1x128xi32, #tpu.memory_space<vmem>> -> memref<128xi32, #tpu.memory_space<vmem>>
      %dma_wait3A_165 = arith.constant 0 : i32
      %dma_wait3A_166 = arith.constant 0 : i32
      %dma_wait3A_167 = tpu.memref_slice %arg3[%dma_wait3A_165, %dma_wait3A_166] : memref<128x128xf32, #tpu.memory_space<hbm>> -> memref<128x128xf32, #tpu.memory_space<hbm>>
      tpu.wait_indirect_dma semaphore(%arg7 : memref<!tpu.dma_semaphore, #tpu.memory_space<semaphore_mem>>) src(%dma_wait3A_167 : memref<128x128xf32, #tpu.memory_space<hbm>>) dst(%dma_wait3A_161 : memref<128x128xf32, #tpu.memory_space<vmem>>)
      %dma_wait3A_168 = arith.constant 6 : i32
      %dma_wait3A_169 = arith.constant 256 : i32
      %dma_wait3A_170 = arith.constant 0 : i32
      %dma_wait3A_171 = tpu.memref_slice %arg6[%dma_wait3A_169, %dma_wait3A_170] : memref<512x128xf32, #tpu.memory_space<vmem>> -> memref<128x128xf32, #tpu.memory_space<vmem>>
      %dma_wait3A_172 = arith.constant 0 : i32
      %dma_wait3A_173 = tpu.memref_slice %arg5[%dma_wait3A_168, %dma_wait3A_172] : memref<8x128xi32, #tpu.memory_space<vmem>> -> memref<1x128xi32, #tpu.memory_space<vmem>>
      %dma_wait3A_174 = tpu.memref_squeeze %dma_wait3A_173 : memref<1x128xi32, #tpu.memory_space<vmem>> -> memref<128xi32, #tpu.memory_space<vmem>>
      %dma_wait3A_175 = arith.constant 0 : i32
      %dma_wait3A_176 = arith.constant 0 : i32
      %dma_wait3A_177 = tpu.memref_slice %arg3[%dma_wait3A_175, %dma_wait3A_176] : memref<128x128xf32, #tpu.memory_space<hbm>> -> memref<128x128xf32, #tpu.memory_space<hbm>>
      tpu.wait_indirect_dma semaphore(%arg7 : memref<!tpu.dma_semaphore, #tpu.memory_space<semaphore_mem>>) src(%dma_wait3A_177 : memref<128x128xf32, #tpu.memory_space<hbm>>) dst(%dma_wait3A_171 : memref<128x128xf32, #tpu.memory_space<vmem>>)
      %dma_wait3A_178 = arith.constant 7 : i32
      %dma_wait3A_179 = arith.constant 384 : i32
      %dma_wait3A_180 = arith.constant 0 : i32
      %dma_wait3A_181 = tpu.memref_slice %arg6[%dma_wait3A_179, %dma_wait3A_180] : memref<512x128xf32, #tpu.memory_space<vmem>> -> memref<128x128xf32, #tpu.memory_space<vmem>>
      %dma_wait3A_182 = arith.constant 0 : i32
      %dma_wait3A_183 = tpu.memref_slice %arg5[%dma_wait3A_178, %dma_wait3A_182] : memref<8x128xi32, #tpu.memory_space<vmem>> -> memref<1x128xi32, #tpu.memory_space<vmem>>
      %dma_wait3A_184 = tpu.memref_squeeze %dma_wait3A_183 : memref<1x128xi32, #tpu.memory_space<vmem>> -> memref<128xi32, #tpu.memory_space<vmem>>
      %dma_wait3A_185 = arith.constant 0 : i32
      %dma_wait3A_186 = arith.constant 0 : i32
      %dma_wait3A_187 = tpu.memref_slice %arg3[%dma_wait3A_185, %dma_wait3A_186] : memref<128x128xf32, #tpu.memory_space<hbm>> -> memref<128x128xf32, #tpu.memory_space<hbm>>
      tpu.wait_indirect_dma semaphore(%arg7 : memref<!tpu.dma_semaphore, #tpu.memory_space<semaphore_mem>>) src(%dma_wait3A_187 : memref<128x128xf32, #tpu.memory_space<hbm>>) dst(%dma_wait3A_181 : memref<128x128xf32, #tpu.memory_space<vmem>>)
      %add3A_188 = arith.constant 512 : i32
      %add3A_189 = arith.addi %multiple_of3A, %add3A_188 : i32
      "tpu.region"() ({
        %run_scoped3A = tpu.sem_alloc : memref<!tpu.dma_semaphore, #tpu.memory_space<semaphore_mem>>
        %dma_start3A_190 = arith.constant 0 : i32
        %dma_start3A_191 = tpu.memref_slice %arg4[%add3A_189, %dma_start3A_190] : memref<1048576x128xf32, #tpu.memory_space<hbm>> -> memref<512x128xf32, #tpu.memory_space<hbm>>
        %dma_start3A_192 = arith.constant 0 : i32
        %dma_start3A_193 = tpu.memref_slice %arg4[%add3A_189, %dma_start3A_192] : memref<1048576x128xf32, #tpu.memory_space<hbm>> -> memref<512x128xf32, #tpu.memory_space<hbm>>
        tpu.enqueue_dma source(%arg6 : memref<512x128xf32, #tpu.memory_space<vmem>>) target(%dma_start3A_193 : memref<512x128xf32, #tpu.memory_space<hbm>>) target_semaphore(%run_scoped3A : memref<!tpu.dma_semaphore, #tpu.memory_space<semaphore_mem>>)
        %dma_wait3A_194 = arith.constant 0 : i32
        %dma_wait3A_195 = tpu.memref_slice %arg4[%add3A_189, %dma_wait3A_194] : memref<1048576x128xf32, #tpu.memory_space<hbm>> -> memref<512x128xf32, #tpu.memory_space<hbm>>
        %dma_wait3A_196 = arith.constant 0 : i32
        %dma_wait3A_197 = tpu.memref_slice %arg4[%add3A_189, %dma_wait3A_196] : memref<1048576x128xf32, #tpu.memory_space<hbm>> -> memref<512x128xf32, #tpu.memory_space<hbm>>
        tpu.wait_dma2 semaphore(%run_scoped3A : memref<!tpu.dma_semaphore, #tpu.memory_space<semaphore_mem>>) src(%arg6 : memref<512x128xf32, #tpu.memory_space<vmem>>) dst(%dma_wait3A_197 : memref<512x128xf32, #tpu.memory_space<hbm>>)
        tpu.yield
      }) : () -> ()
    }
    %scan3A_4 = arith.constant 32 : i32
    return
  }
}

</mosaic_0001>

<sc_bundles>
// kernel: kernel.3.cloned.1.call-start
scs
__scs_entry_jumppad:
0x0: {  	(pc) =	sbr.rel $0x88, $3  }
0x1: {  	(tag) =	ssettag $0x0;
	lr =	simm.s32 $0x1  }
0x2: {  	[smem:$0x3F9F] =	sst lr;
	_ =	strace $0xD0000000  }
0x3: {  	_ = 	snop  }
0x4: {  	_ = 	snop  }
0x5: {  	_ = 	snop  }
0x6: {  	_ = 	snop  }
0x7: {  	_ = 	snop  }
__scs_overlays_trampoline_lowered:
0x8: {  	[smem:$0x3FAE] =	sst s0  }
0x9: {  	[smem:$0x3FAF] =	sst s1  }
0xa: {  	[smem:$0x3FB0] =	sst s2  }
0xb: {  	[smem:$0x3FB1] =	sst s3  }
0xc: {  	[smem:$0x3FB2] =	sst s4  }
0xd: {  	[smem:$0x3FB3] =	sst s5  }
0xe: {  	[smem:$0x3FB4] =	sst s6  }
0xf: {  	[smem:$0x3FB5] =	sst s7  }
0x10: {  	[smem:$0x3FB6] =	sst s8  }
0x11: {  	[smem:$0x3FB7] =	sst s9;
	s0 =	simm.s32 @!p0 $0x0  }
0x12: {  	s1 =	sld [smem:$0x3F9D];
	s0 =	simm.s32 @p0 $0x1  }
0x13: {  	[smem:$0x3FB8] =	sst s0;
	s0 =	simm.s32 @!p1 $0x0  }
0x14: {  	s2 =	sld [smem:$0x3F9C];
	s0 =	simm.s32 @p1 $0x1  }
0x15: {  	[smem:$0x3FB9] =	sst s0;
	s0 =	simm.s32 @!p2 $0x0  }
0x16: {  	s3 =	sld [smem:$0x3FDB];
	s0 =	simm.s32 @p2 $0x1  }
0x17: {  	s4 =	simm.s32 $0x1BF5;
	[smem:$0x3FBB] =	sst s0  }
0x18: {  	s0 =	sld [smem:$0x3F9E];
	_ =	swait.ge [sflag:s4], $0x0  }
0x19: {  	s7 =	sld [smem:$0x3F9F]  }
0x1a: {  	s8 =	sadd.s32 $0xFFFFE003, lr  }
0x1b: {  	s9 =	sadd.s32 $0xFFFFFEF7, lr;
	s5 =	simm.s32 $0xFFFFFFFF;
	p2 =	slt.u32 s8, $0xFFFFF086  }
0x1c: {  	p1 =	slt.u32 s9, $0xF7A;
	s5 =	simm.s32 @!p2 $0x0  }
0x1d: {  	s5 =	simm.s32 @p1 $0x1;
	p0 =	seq.s32 s7, s2  }
0x1e: {  	s7 =	smul.u32 @!p0 $0xF7A, s2;
	p2 =	seq.s32 @!p0 s5, $0x0  }
0x1f: {  	s9 =	smul.u32 $0xF7A, s1;
	s8 =	simm.s32 @!p0 $0x1BF5;
	p2 =	por !p2, p0  }
0x20: {  	[sflag:s8] =	ssyncset.s32 @!p0 $0xFFFFF086;
	s6 =	sadd.s32 @!p0 s3, s7;
	s7 =	simm.s32 @!p0 $0x108  }
0x21: {  	s3 =	sadd.s32 s3, s9;
	s6 =	sadd.s32 @!p0 $0x88, s6;
	s7 =	simm.s32 @p2 $0x1082  }
0x22: {  	[simem:s7], [sflag:s8] =	dma.local @!p0 [hbm:s6], $0xF7A  }
0x23: {  	s9 =	sor.u32 $0xD0000000, s2;
	s6 =	simm.s32 $0x108;
	_ =	swait.ge @!p0 [sflag:s8], $0x0  }
0x24: {  	s3 =	sadd.s32 $0x88, s3;
	s6 =	simm.s32 @!p1 $0x1082;
	[sflag:s4] =	ssyncset.s32 $0xFFFFF086  }
0x25: {  	[simem:s6], [sflag:s4] =	dma.local [hbm:s3], $0xF7A  }
0x26: {  	[smem:$0x3F9F] =	sst s1;
	(tag) =	ssettag s2;
	_ =	strace s9  }
0x27: {  	s1 =	sld [smem:$0x3FAF]  }
0x28: {  	s2 =	sld [smem:$0x3FB0]  }
0x29: {  	s4 =	sld [smem:$0x3FB2]  }
0x2a: {  	p0 =	seq.s32 s5, $0x0;
	s5 =	sld [smem:$0x3FB3]  }
0x2b: {  	s6 =	sld [smem:$0x3FB4]  }
0x2c: {  	s7 =	sld [smem:$0x3FB5]  }
0x2d: {  	s3 =	simm.s32 $0x108;
	s8 =	sld [smem:$0x3FB6]  }
0x2e: {  	s3 =	simm.s32 @!p0 $0x1082;
	s9 =	sld [smem:$0x3FB7]  }
0x2f: {  	lr =	sadd.s32 s0, s3;
	s0 =	sld [smem:$0x3FAE]  }
0x30: {  	s3 =	sld [smem:$0x3FB1]  }
0x31: {  	[smem:$0x3FBA] =	sst s10  }
0x32: {  	s10 =	sld [smem:$0x3FB8];
	_ =	sdelay $0x3  }
0x33: {  	p0 =	seq.s32 s10, $0x1;
	s10 =	sld [smem:$0x3FBA];
	_ =	sdelay $0x3  }
0x34: {  	[smem:$0x3FBA] =	sst s10  }
0x35: {  	s10 =	sld [smem:$0x3FB9];
	_ =	sdelay $0x3  }
0x36: {  	p1 =	seq.s32 s10, $0x1;
	s10 =	sld [smem:$0x3FBA];
	_ =	sdelay $0x3  }
0x37: {  	[smem:$0x3FBA] =	sst s10  }
0x38: {  	s10 =	sld [smem:$0x3FBB]  }
0x39: {  	_ = 	snop;
	(pc) =	sbr.ind lr, $3  }
0x3a: {  	_ = 	snop  }
0x3b: {  	_ = 	snop  }
0x3c: {  	p2 =	seq.s32 s10, $0x1;
	s10 =	sld [smem:$0x3FBA]  }
0x3d: {  	_ =	shalt  }
0x3e: {  	_ =	shalt  }
0x3f: {  	_ =	shalt  }
0x40: {  	_ =	shalt  }
0x41: {  	_ =	shalt  }
0x42: {  	_ =	shalt  }
0x43: {  	_ =	shalt  }
0x44: {  	_ =	shalt  }
0x45: {  	_ =	shalt  }
0x46: {  	_ =	shalt  }
0x47: {  	_ =	shalt  }
0x48: {  	_ =	shalt  }
0x49: {  	_ =	shalt  }
0x4a: {  	_ =	shalt  }
0x4b: {  	_ =	shalt  }
0x4c: {  	_ =	shalt  }
0x4d: {  	_ =	shalt  }
0x4e: {  	_ =	shalt  }
0x4f: {  	_ =	shalt  }
0x50: {  	_ =	shalt  }
0x51: {  	_ =	shalt  }
0x52: {  	_ =	shalt  }
0x53: {  	_ =	shalt  }
0x54: {  	_ =	shalt  }
0x55: {  	_ =	shalt  }
0x56: {  	_ =	shalt  }
0x57: {  	_ =	shalt  }
0x58: {  	_ =	shalt  }
0x59: {  	_ =	shalt  }
0x5a: {  	_ =	shalt  }
0x5b: {  	_ =	shalt  }
0x5c: {  	_ =	shalt  }
0x5d: {  	_ =	shalt  }
0x5e: {  	_ =	shalt  }
0x5f: {  	_ =	shalt  }
0x60: {  	_ =	shalt  }
0x61: {  	_ =	shalt  }
0x62: {  	_ =	shalt  }
0x63: {  	_ =	shalt  }
0x64: {  	_ =	shalt  }
0x65: {  	_ =	shalt  }
0x66: {  	_ =	shalt  }
0x67: {  	_ =	shalt  }
0x68: {  	_ =	shalt  }
0x69: {  	_ =	shalt  }
0x6a: {  	_ =	shalt  }
0x6b: {  	_ =	shalt  }
0x6c: {  	_ =	shalt  }
0x6d: {  	_ =	shalt  }
0x6e: {  	_ =	shalt  }
0x6f: {  	_ =	shalt  }
0x70: {  	_ =	shalt  }
0x71: {  	_ =	shalt  }
0x72: {  	_ =	shalt  }
0x73: {  	_ =	shalt  }
0x74: {  	_ =	shalt  }
0x75: {  	_ =	shalt  }
0x76: {  	_ =	shalt  }
0x77: {  	_ =	shalt  }
0x78: {  	_ =	shalt  }
0x79: {  	_ =	shalt  }
0x7a: {  	_ =	shalt  }
0x7b: {  	_ =	shalt  }
0x7c: {  	_ =	shalt  }
0x7d: {  	_ =	shalt  }
0x7e: {  	_ =	shalt  }
0x7f: {  	_ =	shalt  }
0x80: {  	_ =	shalt  }
0x81: {  	_ =	shalt  }
0x82: {  	_ =	shalt  }
0x83: {  	_ =	shalt  }
0x84: {  	_ =	shalt  }
0x85: {  	_ =	shalt  }
0x86: {  	_ =	shalt  }
0x87: {  	_ =	shalt  }
.Lfunc_end0:
.L_simem_size_0:
called_computation_lowered:
.L_overlay_start_0:
0x88: {  	s2 =	sld [smem:$0x3FD9]  }
0x89: {  	s3 =	sld [smem:$0x3FFE];
	_ =	sdelay $0x1  }
0x8a: {  	s1 =	srdreg.scid  }
0x8b: {  	s0 =	sand.u32 $0x1, s1  }
0x8c: {  	s17 =	sshll.u32 s0, $0xA;
	s2 =	sadd.s32 s3, s2  }
0x8d: {  	s2 =	sadd.s32 s2, s17  }
0x8e: {  	[smem:$0x3FC6] =	sst s2  }
0x8f: {  	_ = 	snop  }
0x90: {  	s2 =	sld [smem:$0x3FD0];
	(tm) =	ssettm $0x1  }
0x91: {  	s18 =	sld [smem:$0x3FFB];
	_ =	sdelay $0x3  }
0x92: {  	_ =	strace s18  }
0x93: {  	s3 =	sld [smem:$0x3FFC];
	_ =	sdelay $0x3  }
0x94: {  	_ =	strace s3  }
0x95: {  	s3 =	sld [smem:$0x3FFD];
	_ =	sdelay $0x3  }
0x96: {  	_ =	strace s3  }
0x97: {  	_ =	strace $0x8FFFFFFF  }
0x98: {  	s19 =	sld [smem:$0x3FDB];
	_ =	sdelay $0x1  }
0x99: {  	s4 =	simm.s32 $_scs_section_size  }
0x9a: {  	s5 =	simm.s32 $_size__tile_overlayer_lowered;
	s6 =	simm.s32 $_tile_overlayer_lowered  }
0x9b: {  	s22 =	simm.s32 $0x1BFF;
	s21 =	sshll.u32 s6, $0x1;
	s3 =	sadd.s32 s4, s19  }
0x9c: {  	s7 =	simm.s32 $0x0;
	s20 =	sshll.u32 s5, $0x1;
	s5 =	sadd.s32 s21, s3  }
0x9d: {  	[timem:s7], [sflag:s22] =	dma.local [hbm:s5], s20  }
0x9e: {  	_ =	swait.ge [sflag:s22], s20  }
0x9f: {  	s4 =	ssub.s32 $0x0, s20;
	[sflag:s22] =	ssyncset.done $0x0  }
0xa0: {  	[sflag:s22] =	ssyncadd.s32 s4;
	_ =	sdelay $0x1  }
0xa1: {  	s23 =	simm.s32 $0x1B8B  }
0xa2: {  	_ =	swait.ge [sflag:s23], $0x1  }
0xa3: {  	[sflag:s23] =	ssyncset.done $0x0  }
0xa4: {  	s25 =	simm.s32 $0x1B8E;
	s24 =	sld [smem:$0x3FFE];
	[sflag:s23] =	ssyncadd.s32 $0xFFFFFFFF  }
0xa5: {  	s26 =	simm.s32 $execute0_lowered;
	[smem:$0x3FD2] =	sst s25  }
0xa6: {  	s5 =	sshll.u32 s26, $0x1;
	_ =	strace $0x80000046;
	[dreg:$0x1] =	wrdreg $0xFFFFFFFF  }
0xa7: {  	s28 =	simm.s32 $_size_execute0_lowered;
	s3 =	sadd.s32 s3, s5;
	[dreg:$0x0] =	wrdreg $0x0  }
0xa8: {  	s5 =	sshll.u32 s28, $0x1;
	[dreg:$0x2] =	wrdreg s3  }
0xa9: {  	[dreg:$0x3] =	wrdreg s5  }
0xaa: {  	[dreg:$0x4] =	wrdreg $0xC0  }
0xab: {  	_ =	task [dreg:s7], $0x5FFFF  }
0xac: {  	[dreg:$0x1] =	wrdreg $0xFFFFFFFF  }
0xad: {  	[dreg:$0x0] =	wrdreg $0x60  }
0xae: {  	[dreg:$0x2] =	wrdreg s24  }
0xaf: {  	[dreg:$0x3] =	wrdreg s2  }
0xb0: {  	[dreg:$0x4] =	wrdreg $0x9  }
0xb1: {  	_ =	task.clear_ibuf [dreg:s7], $0x5FFFF;
	_ =	strace $0x90000046  }
0xb2: {  	s29 =	simm.s32 $0x9;
	_ =	strace $0x80000048  }
0xb3: {  	_ =	swait.ge [sflag:s29], $0x1  }
0xb4: {  	[sflag:s29] =	ssyncadd.s32 $0xFFFFFFFF  }
0xb5: {  	_ =	strace $0x90000048  }
0xb6: {  	_ =	sfence  }
0xb7: {  	s30 =	sld [smem:$0x0];
	_ =	sdelay $0x2  }
0xb8: {  	s31 =	sshll.u32 s1, $0xD;
	s1 =	sshrl.u32 s1, $0x2  }
0xb9: {  	s3 =	sand.u32 $0x4000, s31;
	s1 =	sadd.s32 s1, s30  }
0xba: {  	s0 =	sor.u32 s3, s0;
	s1 =	sshll.u32 s1, $0x11  }
0xbb: {  	s0 =	sor.u32 s1, s0  }
0xbc: {  	s0 =	sadd.s32 $0x8F2B, s0  }
0xbd: {  	[sflag:s0] =	ssyncadd.remote.s32 $0x1  }
0xbe: {  	_ =	sfence.sel $0xFFFF  }
0xbf: {  	[dreg:$0x0] =	wrdreg $0xFFFFFFFF;
	(pc) =	sbr.abs _section_cstart, $3  }
0xc0: {  	[dreg:$0x1] =	wrdreg $0xFFFFFFFF  }
0xc1: {  	_ =	task.clear_ibuf [dreg:s7], $0x2FFFF;
	_ =	strace $0x9FFFFFFF  }
0xc2: {  	(tm) =	ssettm $0x7FFFFFFF  }
0xc3: {  	_ =	shalt  }
tec
execute0_lowered:
.L_overlay_start_1:
0x0: {  	(tag) =	ssettag $0x1  }
0x1: {  	s3 =	rddreg [dreg:$0x0]  }
0x2: {  	s4 =	rddreg [dreg:$0x1]  }
0x3: {  	s0 =	rddreg [dreg:$0x2]  }
0x4: {  	s5 =	srdreg.scid;
	s2 =	simm.s32 $0x0;
	s1 =	stileid.u32  }
0x5: {  	s9 =	simm.s32 $0x400;
	s10 =	simm.s32 $0x4400;
	s11 =	simm.s32 $0x100  }
0x6: {  	s12 =	simm.s32 $0x8400;
	s13 =	simm.s32 $0x180;
	s14 =	simm.s32 $0xC400  }
0x7: {  	s15 =	simm.s32 $0x1;
	s16 =	simm.s32 $0x200;
	s17 =	simm.s32 $0x280  }
0x8: {  	s18 =	simm.s32 $0x300;
	s19 =	simm.s32 $0x380;
	s20 =	simm.s32 $0x0  }
0x9: {  	s5 =	sand.u32 $0x1, s5;
	[smem:$0x7FF] =	sst s2;
	s7 =	sshll.u32 s1, $0xF  }
0xa: {  	s31 =	sshll.u32 s1, $0x13;
	s6 =	sshll.u32 s5, $0x13;
	_ =	strace $0x80000047  }
0xb: {  	s30 =	ssub.s32 $0x2, s5;
	s5 =	sshll.u32 s5, $0x17;
	s6 =	sor.u32 s7, s6  }
0xc: {  	s8 =	sshrl.u32 s30, $0x1;
	s4 =	sadd.s32 s5, s4;
	s6 =	sshrl.u32 s6, $0x3  }
0xd: {  	s7 =	ssub.s32 s30, s8;
	s5 =	sadd.s32 s31, s4;
	s8 =	simm.s32 $0x80  }
0xe: {  	s6 =	sadd.s32 s6, s3;
	s3 =	sadd.s32 $0x20600, s3;
	s4 =	smax.u32 s7, $0x1  }
0xf: {  	s5 =	sadd.s32 $0x2000, s5;
	s7 =	simm.s32 $0x2;
	s6 =	sadd.s32 $0x600, s6  }
.LBB2_1:
0x10: {  	s21 =	sadd.s32 $0x0, s6  }
0x11: {  	[tilespmem:s2], [sflag:$0x2] =	stream.linear.gather [hbm4b:s21+s2], $0x400, $0x38;
	[tilespmem:$0x10400] =	vst v63  }
0x12: {  	_ =	swait.ge [sflag:s7], $0x400  }
0x13: {  	[sflag:s7] =	ssyncset.done $0x0  }
0x14: {  	[sflag:s7] =	ssyncadd.s32 $0xFFFFFC00  }
0x15: {  	[tilespmem:s9], [sflag:$0x1] =	stream.indirect.gather [hbm4b:s3+s8], $0x80, s2, s8, $0xb8;
	[tilespmem:$0x10400] =	vst v63  }
0x16: {  	_ = 	snop  }
0x17: {  	[tilespmem:s10], [sflag:$0x1] =	stream.indirect.gather [hbm4b:s3+s8], $0x80, s8, s8, $0xb8;
	[tilespmem:$0x10400] =	vst v63  }
0x18: {  	_ = 	snop  }
0x19: {  	[tilespmem:s12], [sflag:$0x1] =	stream.indirect.gather [hbm4b:s3+s8], $0x80, s11, s8, $0xb8;
	[tilespmem:$0x10400] =	vst v63  }
0x1a: {  	_ = 	snop  }
0x1b: {  	[tilespmem:s14], [sflag:$0x1] =	stream.indirect.gather [hbm4b:s3+s8], $0x80, s13, s8, $0xb8;
	[tilespmem:$0x10400] =	vst v63  }
0x1c: {  	_ =	swait.ge [sflag:s15], $0x4000  }
0x1d: {  	[sflag:s15] =	ssyncset.done $0x0  }
0x1e: {  	[sflag:s15] =	ssyncadd.s32 $0xFFFFC000  }
0x1f: {  	_ =	swait.ge [sflag:s15], $0x4000  }
0x20: {  	[sflag:s15] =	ssyncset.done $0x0  }
0x21: {  	[sflag:s15] =	ssyncadd.s32 $0xFFFFC000  }
0x22: {  	_ =	swait.ge [sflag:s15], $0x4000  }
0x23: {  	[sflag:s15] =	ssyncset.done $0x0  }
0x24: {  	[sflag:s15] =	ssyncadd.s32 $0xFFFFC000  }
0x25: {  	_ =	swait.ge [sflag:s15], $0x4000  }
0x26: {  	[sflag:s15] =	ssyncset.done $0x0  }
0x27: {  	s31 =	sadd.s32 $0xFFFFE000, s5;
	[sflag:s15] =	ssyncadd.s32 $0xFFFFC000  }
0x28: {  	[hbm4b:s31+s2] =	stream.linear.scatter [tilespmem:s9], [sflag:$0x2], $0x10000, $0x38;
	[tilespmem:$0x10400] =	vst v63  }
0x29: {  	_ =	swait.ge [sflag:s7], $0x10000  }
0x2a: {  	[sflag:s7] =	ssyncset.done $0x0  }
0x2b: {  	[sflag:s7] =	ssyncadd.s32 $0xFFFF0000  }
0x2c: {  	[tilespmem:s9], [sflag:$0x1] =	stream.indirect.gather [hbm4b:s3+s8], $0x80, s16, s8, $0xb8;
	[tilespmem:$0x10400] =	vst v63  }
0x2d: {  	_ = 	snop  }
0x2e: {  	[tilespmem:s10], [sflag:$0x1] =	stream.indirect.gather [hbm4b:s3+s8], $0x80, s17, s8, $0xb8;
	[tilespmem:$0x10400] =	vst v63  }
0x2f: {  	_ = 	snop  }
0x30: {  	[tilespmem:s12], [sflag:$0x1] =	stream.indirect.gather [hbm4b:s3+s8], $0x80, s18, s8, $0xb8;
	[tilespmem:$0x10400] =	vst v63  }
0x31: {  	_ = 	snop  }
0x32: {  	[tilespmem:s14], [sflag:$0x1] =	stream.indirect.gather [hbm4b:s3+s8], $0x80, s19, s8, $0xb8;
	[tilespmem:$0x10400] =	vst v63  }
0x33: {  	_ =	swait.ge [sflag:s15], $0x4000  }
0x34: {  	[sflag:s15] =	ssyncset.done $0x0  }
0x35: {  	[sflag:s15] =	ssyncadd.s32 $0xFFFFC000  }
0x36: {  	_ =	swait.ge [sflag:s15], $0x4000  }
0x37: {  	[sflag:s15] =	ssyncset.done $0x0  }
0x38: {  	[sflag:s15] =	ssyncadd.s32 $0xFFFFC000  }
0x39: {  	_ =	swait.ge [sflag:s15], $0x4000  }
0x3a: {  	[sflag:s15] =	ssyncset.done $0x0  }
0x3b: {  	[sflag:s15] =	ssyncadd.s32 $0xFFFFC000  }
0x3c: {  	_ =	swait.ge [sflag:s15], $0x4000  }
0x3d: {  	[sflag:s15] =	ssyncset.done $0x0  }
0x3e: {  	[sflag:s15] =	ssyncadd.s32 $0xFFFFC000  }
0x3f: {  	[hbm4b:s5+s2] =	stream.linear.scatter [tilespmem:s9], [sflag:$0x2], $0x10000, $0x38;
	[tilespmem:$0x10400] =	vst v63  }
0x40: {  	s22 =	simm.s32 $0x80;
	_ =	swait.ge [sflag:s7], $0x10000  }
0x41: {  	s24 =	simm.s32 $0x100;
	s21 =	sadd.s32 $0x4000, s5;
	[sflag:s7] =	ssyncset.done $0x0  }
.LBB2_2:
0x42: {  	s25 =	sadd.s32 s22, s6  }
0x43: {  	[sflag:s7] =	ssyncadd.s32 $0xFFFF0000;
	s22 =	smov.u32 s24;
	s23 =	sadd.s32 $0x80, s24  }
0x44: {  	[tilespmem:s2], [sflag:$0x2] =	stream.linear.gather [hbm4b:s25+s2], $0x400, $0x38;
	[tilespmem:$0x10400] =	vst v63  }
0x45: {  	p0 =	sne.s32 s24, $0xF80;
	_ =	swait.ge [sflag:s7], $0x400  }
0x46: {  	[sflag:s7] =	ssyncset.done $0x0  }
0x47: {  	[sflag:s7] =	ssyncadd.s32 $0xFFFFFC00  }
0x48: {  	[tilespmem:s9], [sflag:$0x1] =	stream.indirect.gather [hbm4b:s3+s8], $0x80, s2, s8, $0xb8;
	[tilespmem:$0x10400] =	vst v63  }
0x49: {  	_ = 	snop  }
0x4a: {  	[tilespmem:s10], [sflag:$0x1] =	stream.indirect.gather [hbm4b:s3+s8], $0x80, s8, s8, $0xb8;
	[tilespmem:$0x10400] =	vst v63  }
0x4b: {  	_ = 	snop  }
0x4c: {  	[tilespmem:s12], [sflag:$0x1] =	stream.indirect.gather [hbm4b:s3+s8], $0x80, s11, s8, $0xb8;
	[tilespmem:$0x10400] =	vst v63  }
0x4d: {  	_ = 	snop  }
0x4e: {  	[tilespmem:s14], [sflag:$0x1] =	stream.indirect.gather [hbm4b:s3+s8], $0x80, s13, s8, $0xb8;
	[tilespmem:$0x10400] =	vst v63  }
0x4f: {  	_ =	swait.ge [sflag:s15], $0x4000  }
0x50: {  	[sflag:s15] =	ssyncset.done $0x0  }
0x51: {  	[sflag:s15] =	ssyncadd.s32 $0xFFFFC000  }
0x52: {  	_ =	swait.ge [sflag:s15], $0x4000  }
0x53: {  	[sflag:s15] =	ssyncset.done $0x0  }
0x54: {  	[sflag:s15] =	ssyncadd.s32 $0xFFFFC000  }
0x55: {  	_ =	swait.ge [sflag:s15], $0x4000  }
0x56: {  	[sflag:s15] =	ssyncset.done $0x0  }
0x57: {  	[sflag:s15] =	ssyncadd.s32 $0xFFFFC000  }
0x58: {  	_ =	swait.ge [sflag:s15], $0x4000  }
0x59: {  	[sflag:s15] =	ssyncset.done $0x0  }
0x5a: {  	s24 =	sadd.s32 $0xFFFFE000, s21;
	[sflag:s15] =	ssyncadd.s32 $0xFFFFC000  }
0x5b: {  	[hbm4b:s24+s2] =	stream.linear.scatter [tilespmem:s9], [sflag:$0x2], $0x10000, $0x38;
	[tilespmem:$0x10400] =	vst v63  }
0x5c: {  	_ =	swait.ge [sflag:s7], $0x10000  }
0x5d: {  	[sflag:s7] =	ssyncset.done $0x0  }
0x5e: {  	[sflag:s7] =	ssyncadd.s32 $0xFFFF0000  }
0x5f: {  	[tilespmem:s9], [sflag:$0x1] =	stream.indirect.gather [hbm4b:s3+s8], $0x80, s16, s8, $0xb8;
	[tilespmem:$0x10400] =	vst v63  }
0x60: {  	_ = 	snop  }
0x61: {  	[tilespmem:s10], [sflag:$0x1] =	stream.indirect.gather [hbm4b:s3+s8], $0x80, s17, s8, $0xb8;
	[tilespmem:$0x10400] =	vst v63  }
0x62: {  	_ = 	snop  }
0x63: {  	[tilespmem:s12], [sflag:$0x1] =	stream.indirect.gather [hbm4b:s3+s8], $0x80, s18, s8, $0xb8;
	[tilespmem:$0x10400] =	vst v63  }
0x64: {  	_ = 	snop  }
0x65: {  	[tilespmem:s14], [sflag:$0x1] =	stream.indirect.gather [hbm4b:s3+s8], $0x80, s19, s8, $0xb8;
	[tilespmem:$0x10400] =	vst v63  }
0x66: {  	_ =	swait.ge [sflag:s15], $0x4000  }
0x67: {  	[sflag:s15] =	ssyncset.done $0x0  }
0x68: {  	[sflag:s15] =	ssyncadd.s32 $0xFFFFC000  }
0x69: {  	_ =	swait.ge [sflag:s15], $0x4000  }
0x6a: {  	[sflag:s15] =	ssyncset.done $0x0  }
0x6b: {  	[sflag:s15] =	ssyncadd.s32 $0xFFFFC000  }
0x6c: {  	_ =	swait.ge [sflag:s15], $0x4000  }
0x6d: {  	[sflag:s15] =	ssyncset.done $0x0  }
0x6e: {  	[sflag:s15] =	ssyncadd.s32 $0xFFFFC000  }
0x6f: {  	_ =	swait.ge [sflag:s15], $0x4000  }
.Ltmp0:
0x70: {  	[sflag:s15] =	ssyncset.done $0x0;
	(pc) =	sbr.rel @p0 .LBB2_2-.Ltmp0, $4  }
0x71: {  	[sflag:s15] =	ssyncadd.s32 $0xFFFFC000  }
0x72: {  	[hbm4b:s21+s2] =	stream.linear.scatter [tilespmem:s9], [sflag:$0x2], $0x10000, $0x38;
	[tilespmem:$0x10400] =	vst v63  }
0x73: {  	_ =	swait.ge [sflag:s7], $0x10000  }
0x74: {  	s24 =	smov.u32 s23;
	s21 =	sadd.s32 $0x4000, s21;
	[sflag:s7] =	ssyncset.done $0x0  }
0x75: {  	s22 =	sadd.s32 s22, s6;
	[sflag:s7] =	ssyncadd.s32 $0xFFFF0000  }
0x76: {  	[tilespmem:s2], [sflag:$0x2] =	stream.linear.gather [hbm4b:s22+s2], $0x400, $0x38;
	[tilespmem:$0x10400] =	vst v63  }
0x77: {  	_ =	swait.ge [sflag:s7], $0x400  }
0x78: {  	[sflag:s7] =	ssyncset.done $0x0  }
0x79: {  	[sflag:s7] =	ssyncadd.s32 $0xFFFFFC00  }
0x7a: {  	[tilespmem:s9], [sflag:$0x1] =	stream.indirect.gather [hbm4b:s3+s8], $0x80, s2, s8, $0xb8;
	[tilespmem:$0x10400] =	vst v63  }
0x7b: {  	_ = 	snop  }
0x7c: {  	[tilespmem:s10], [sflag:$0x1] =	stream.indirect.gather [hbm4b:s3+s8], $0x80, s8, s8, $0xb8;
	[tilespmem:$0x10400] =	vst v63  }
0x7d: {  	_ = 	snop  }
0x7e: {  	[tilespmem:s12], [sflag:$0x1] =	stream.indirect.gather [hbm4b:s3+s8], $0x80, s11, s8, $0xb8;
	[tilespmem:$0x10400] =	vst v63  }
0x7f: {  	_ = 	snop  }
0x80: {  	[tilespmem:s14], [sflag:$0x1] =	stream.indirect.gather [hbm4b:s3+s8], $0x80, s13, s8, $0xb8;
	[tilespmem:$0x10400] =	vst v63  }
0x81: {  	_ =	swait.ge [sflag:s15], $0x4000  }
0x82: {  	[sflag:s15] =	ssyncset.done $0x0  }
0x83: {  	[sflag:s15] =	ssyncadd.s32 $0xFFFFC000  }
0x84: {  	_ =	swait.ge [sflag:s15], $0x4000  }
0x85: {  	[sflag:s15] =	ssyncset.done $0x0  }
0x86: {  	[sflag:s15] =	ssyncadd.s32 $0xFFFFC000  }
0x87: {  	_ =	swait.ge [sflag:s15], $0x4000  }
0x88: {  	[sflag:s15] =	ssyncset.done $0x0  }
0x89: {  	[sflag:s15] =	ssyncadd.s32 $0xFFFFC000  }
0x8a: {  	_ =	swait.ge [sflag:s15], $0x4000  }
0x8b: {  	[sflag:s15] =	ssyncset.done $0x0  }
0x8c: {  	s31 =	sadd.s32 $0xFFFFE000, s21;
	[sflag:s15] =	ssyncadd.s32 $0xFFFFC000  }
0x8d: {  	[hbm4b:s31+s2] =	stream.linear.scatter [tilespmem:s9], [sflag:$0x2], $0x10000, $0x38;
	[tilespmem:$0x10400] =	vst v63  }
0x8e: {  	_ =	swait.ge [sflag:s7], $0x10000  }
0x8f: {  	[sflag:s7] =	ssyncset.done $0x0  }
0x90: {  	[sflag:s7] =	ssyncadd.s32 $0xFFFF0000  }
0x91: {  	[tilespmem:s9], [sflag:$0x1] =	stream.indirect.gather [hbm4b:s3+s8], $0x80, s16, s8, $0xb8;
	[tilespmem:$0x10400] =	vst v63  }
0x92: {  	_ = 	snop  }
0x93: {  	[tilespmem:s10], [sflag:$0x1] =	stream.indirect.gather [hbm4b:s3+s8], $0x80, s17, s8, $0xb8;
	[tilespmem:$0x10400] =	vst v63  }
0x94: {  	_ = 	snop  }
0x95: {  	[tilespmem:s12], [sflag:$0x1] =	stream.indirect.gather [hbm4b:s3+s8], $0x80, s18, s8, $0xb8;
	[tilespmem:$0x10400] =	vst v63  }
0x96: {  	_ = 	snop  }
0x97: {  	[tilespmem:s14], [sflag:$0x1] =	stream.indirect.gather [hbm4b:s3+s8], $0x80, s19, s8, $0xb8;
	[tilespmem:$0x10400] =	vst v63  }
0x98: {  	_ =	swait.ge [sflag:s15], $0x4000  }
0x99: {  	[sflag:s15] =	ssyncset.done $0x0  }
0x9a: {  	[sflag:s15] =	ssyncadd.s32 $0xFFFFC000  }
0x9b: {  	_ =	swait.ge [sflag:s15], $0x4000  }
0x9c: {  	[sflag:s15] =	ssyncset.done $0x0  }
0x9d: {  	[sflag:s15] =	ssyncadd.s32 $0xFFFFC000  }
0x9e: {  	_ =	swait.ge [sflag:s15], $0x4000  }
0x9f: {  	[sflag:s15] =	ssyncset.done $0x0  }
0xa0: {  	[sflag:s15] =	ssyncadd.s32 $0xFFFFC000  }
0xa1: {  	s20 =	sadd.s32 $0x1, s20;
	_ =	swait.ge [sflag:s15], $0x4000  }
0xa2: {  	p0 =	sne.s32 s20, s4;
	[sflag:s15] =	ssyncset.done $0x0  }
.Ltmp1:
0xa3: {  	[sflag:s15] =	ssyncadd.s32 $0xFFFFC000;
	(pc) =	sbr.rel @p0 .LBB2_1-.Ltmp1, $4  }
0xa4: {  	[hbm4b:s21+s2] =	stream.linear.scatter [tilespmem:s9], [sflag:$0x2], $0x10000, $0x38;
	[tilespmem:$0x10400] =	vst v63  }
0xa5: {  	_ =	swait.ge [sflag:s7], $0x10000  }
0xa6: {  	[sflag:s7] =	ssyncset.done $0x0  }
0xa7: {  	[sflag:s7] =	ssyncadd.s32 $0xFFFF0000  }
0xa8: {  	_ =	sfence.sel $0x180000  }
0xa9: {  	[bflag:$0x0] =	sbarrier.arrive $0xFFFF  }
0xaa: {  	p0 =	sne.s32 s1, $0x0;
	_ =	strace $0x90000047  }
0xab: {  	s0 =	sadd.s32 @!p0 $0x100000, s0;
	[bflag:$0x2] =	sbarrier.arrive $0xFFFF  }
0xac: {  	[sflag:s0] =	ssyncadd.tile.s32 @!p0 $0x1;
	_ =	shalt  }
.Lfunc_end2:
_tile_overlayer_lowered:
.L_overlay_start_2:
0xad: {  	(tag) =	ssettag $0x2  }
0xae: {  	s0 =	rddreg [dreg:$0x0];
	s2 =	stileid.u32  }
0xaf: {  	s1 =	rddreg [dreg:$0x1];
	p0 =	sne.s32 s2, $0x0  }
0xb0: {  	s3 =	rddreg [dreg:$0x2];
	[bflag:$0x3] =	sbarrier.arrive $0xFFFF;
	s2 =	simm.s32 @!p0 $0x1C02  }
0xb1: {  	[timem:s3], [sflag:s2] =	dma.local @!p0 [hbm:s0], s1  }
0xb2: {  	s0 =	simm.s32 @!p0 $0x2  }
0xb3: {  	_ =	swait.ge @!p0 [sflag:s0], s1  }
0xb4: {  	s1 =	ssub.s32 @!p0 $0x0, s1;
	[sflag:s0] =	ssyncset.done @!p0 $0x0  }
0xb5: {  	[sflag:s0] =	ssyncadd.s32 @!p0 s1  }
0xb6: {  	[bflag:$0x3] =	sbarrier.arrive $0xFFFF  }
0xb7: {  	_ =	shalt  }

</sc_bundles>
